<compile_context>
chip_gen: v7x
topology: tpu7x:2x2x1
jax: 0.10.2.dev20260603
libtpu: 0.0.44.dev20260713+nightly
codegen_flags: <defaults>
</compile_context>

<pallas_src>
import functools

import jax
import jax.numpy as jnp
from jax import lax
from jax.experimental import pallas as pl
from jax.experimental.pallas import tpu as pltpu
from jax.experimental.pallas import tpu_sc as plsc

BATCH = 16384
HIST = 50
D = 64
NC, NS = 2, 16
NW = NC * NS
C = 128
HB = BATCH // 2
NB_TOT = HIST * (BATCH // C)
NBLK = NB_TOT // NW
CT = BATCH // C

_mesh = plsc.VectorSubcoreMesh(core_axis_name="c", subcore_axis_name="s")


@functools.partial(
    pl.kernel,
    mesh=_mesh,
    out_type=jax.ShapeDtypeStruct((HIST * HB, 2 * D), jnp.float32),
    scratch_types=[
        pltpu.VMEM((NBLK, C), jnp.int32),
        pltpu.VMEM((C, D), jnp.float32),
        pltpu.VMEM((C, D), jnp.float32),
        pltpu.SemaphoreType.DMA,
        pltpu.SemaphoreType.DMA,
        pltpu.SemaphoreType.DMA,
        pltpu.SemaphoreType.DMA,
    ],
    compiler_params=pltpu.CompilerParams(use_tc_tiling_on_sc=False),
)
def _sc_gather(idx_hbm, table_hbm, out_hbm, idx_v, g0, g1, sg0, sg1, sw0, sw1):
    wid = lax.axis_index("s") * NC + lax.axis_index("c")
    base = wid * NBLK
    pltpu.sync_copy(idx_hbm.at[pl.ds(base, NBLK)], idx_v)

    def fire_gather(i, g, sem):
        pltpu.async_copy(table_hbm.at[idx_v.at[i]], g, sem)

    def drain_gather(g, sem):
        pltpu.make_async_copy(table_hbm.at[idx_v.at[0]], g, sem).wait()

    def fire_write(i, g, sem):
        blk = base + i
        h = blk // CT
        c = blk - h * CT
        q = c // (CT // 2)
        c2 = c - q * (CT // 2)
        pltpu.async_copy(
            g, out_hbm.at[pl.ds(h * HB + c2 * C, C), pl.ds(q * D, D)], sem)

    def drain_write(g, sem):
        pltpu.make_async_copy(
            g, out_hbm.at[pl.ds(0, C), pl.ds(0, D)], sem).wait()

    fire_gather(0, g0, sg0)

    def body(t, carry):
        i = 2 * t
        fire_gather(i + 1, g1, sg1)
        drain_gather(g0, sg0)

        @pl.when(i > 0)
        def _():
            drain_write(g0, sw0)

        fire_write(i, g0, sw0)

        @pl.when(i + 2 < NBLK)
        def _():
            fire_gather(i + 2, g0, sg0)

        drain_gather(g1, sg1)

        @pl.when(i > 0)
        def _():
            drain_write(g1, sw1)

        fire_write(i + 1, g1, sw1)
        return carry

    lax.fori_loop(0, NBLK // 2, body, 0)
    drain_write(g0, sw0)
    drain_write(g1, sw1)


def _tc_body(in_ref, out_ref):
    w = in_ref[...].T
    out_ref[0, :, 0:HB] = w[0:D, :]
    out_ref[0, :, HB:BATCH] = w[D:2 * D, :]


_tc_transpose = pl.pallas_call(
    _tc_body,
    grid=(HIST,),
    in_specs=[pl.BlockSpec((HB, 2 * D), lambda h: (h, 0))],
    out_specs=pl.BlockSpec((1, D, BATCH), lambda h: (h, 0, 0)),
    out_shape=jax.ShapeDtypeStruct((HIST, D, BATCH), jnp.float32),
)


def kernel(x, table):
    idx = x.transpose().reshape(NB_TOT, C).astype(jnp.int32)
    inter = _sc_gather(idx, table)
    o3 = _tc_transpose(inter)
    return o3.transpose(2, 0, 1)

# --- scband reference (transcript-rebuilt; emitter-appended) ---
"""Pipeline reference for scband-embedder-36833639531148 (READ-ONLY COPY).

The authoritative reference and input builder live on the scoring server;
editing this copy changes nothing except your own understanding.
"""

import jax, jax.numpy as jnp
import numpy as np

VOCAB = 1000000
D_MODEL = 64
BATCH = 16384
HIST = 50

def setup_inputs(seed: int = 0) -> dict:
    key = jax.random.key(seed)
    k_idx, k_tab = jax.random.split(key)
    x = jax.random.randint(k_idx, (BATCH, HIST), 0, VOCAB, dtype=jnp.int64)
    # nn.Embedding default init: N(0, 1)
    table = jax.random.normal(k_tab, (VOCAB, D_MODEL), dtype=jnp.float32)
    return {"x": x, "table": table}

def reference(x, table):
    # Embedder.forward: embedding lookup table[x]
    return jnp.take(table, x, axis=0)

if __name__ == "__main__":
    import jax
    _d = setup_inputs()
    print(jax.jit(kernel)(*tuple(_d.values())))

</pallas_src>

<mosaic_0001>
#map = affine_map<(d0, d1) -> (0, 0)>
module attributes {stable_mosaic.version = 14 : i64} {
  func.func @_sc_gather(%arg0: i32, %arg1: i32, %arg2: memref<6400x128xi32, #tpu.memory_space<hbm>>, %arg3: memref<1000000x64xf32, #tpu.memory_space<hbm>>, %arg4: memref<409600x128xf32, #tpu.memory_space<hbm>>, %arg5: memref<200x128xi32, #tpu.memory_space<vmem>>, %arg6: memref<128x64xf32, #tpu.memory_space<vmem>>, %arg7: memref<128x64xf32, #tpu.memory_space<vmem>>, %arg8: memref<!tpu.dma_semaphore, #tpu.memory_space<semaphore_mem>>, %arg9: memref<!tpu.dma_semaphore, #tpu.memory_space<semaphore_mem>>, %arg10: memref<!tpu.dma_semaphore, #tpu.memory_space<semaphore_mem>>, %arg11: memref<!tpu.dma_semaphore, #tpu.memory_space<semaphore_mem>>) attributes {dimension_semantics = [#tpu.dimension_semantics<core_parallel>, #tpu.dimension_semantics<subcore_parallel>], iteration_bounds = array<i64: 2, 16>, scalar_prefetch = 0 : i64, scratch_operands = 7 : i64, tpu.core_type = #tpu.core_type<sc_vector_subcore>, window_params = [{transform_indices = #map}, {transform_indices = #map}, {transform_indices = #map}]} {
    %mul3A = arith.constant 2 : i32
    %mul3A_0 = arith.muli %arg1, %mul3A : i32
    %add3A = arith.addi %mul3A_0, %arg0 : i32
    %mul3A_1 = arith.constant 200 : i32
    %mul3A_2 = arith.muli %add3A, %mul3A_1 : i32
    "tpu.region"() ({
      %run_scoped3A = tpu.sem_alloc : memref<!tpu.dma_semaphore, #tpu.memory_space<semaphore_mem>>
      %dma_start3A_25 = arith.constant 0 : i32
      %dma_start3A_26 = tpu.memref_slice %arg2[%mul3A_2, %dma_start3A_25] : memref<6400x128xi32, #tpu.memory_space<hbm>> -> memref<200x128xi32, #tpu.memory_space<hbm>>
      %dma_start3A_27 = arith.constant 0 : i32
      %dma_start3A_28 = tpu.memref_slice %arg2[%mul3A_2, %dma_start3A_27] : memref<6400x128xi32, #tpu.memory_space<hbm>> -> memref<200x128xi32, #tpu.memory_space<hbm>>
      tpu.enqueue_dma source(%dma_start3A_28 : memref<200x128xi32, #tpu.memory_space<hbm>>) target(%arg5 : memref<200x128xi32, #tpu.memory_space<vmem>>) target_semaphore(%run_scoped3A : memref<!tpu.dma_semaphore, #tpu.memory_space<semaphore_mem>>)
      %dma_wait3A_29 = arith.constant 0 : i32
      %dma_wait3A_30 = tpu.memref_slice %arg2[%mul3A_2, %dma_wait3A_29] : memref<6400x128xi32, #tpu.memory_space<hbm>> -> memref<200x128xi32, #tpu.memory_space<hbm>>
      %dma_wait3A_31 = arith.constant 0 : i32
      %dma_wait3A_32 = tpu.memref_slice %arg2[%mul3A_2, %dma_wait3A_31] : memref<6400x128xi32, #tpu.memory_space<hbm>> -> memref<200x128xi32, #tpu.memory_space<hbm>>
      tpu.wait_dma2 semaphore(%run_scoped3A : memref<!tpu.dma_semaphore, #tpu.memory_space<semaphore_mem>>) src(%dma_wait3A_32 : memref<200x128xi32, #tpu.memory_space<hbm>>) dst(%arg5 : memref<200x128xi32, #tpu.memory_space<vmem>>)
      tpu.yield
    }) : () -> ()
    %dma_start3A = arith.constant 0 : i32
    %dma_start3A_3 = arith.constant 0 : i32
    %dma_start3A_4 = tpu.memref_slice %arg5[%dma_start3A, %dma_start3A_3] : memref<200x128xi32, #tpu.memory_space<vmem>> -> memref<1x128xi32, #tpu.memory_space<vmem>>
    %dma_start3A_5 = tpu.memref_squeeze %dma_start3A_4 : memref<1x128xi32, #tpu.memory_space<vmem>> -> memref<128xi32, #tpu.memory_space<vmem>>
    %dma_start3A_6 = arith.constant 0 : i32
    %dma_start3A_7 = arith.constant 0 : i32
    %dma_start3A_8 = tpu.memref_slice %arg3[%dma_start3A_6, %dma_start3A_7] : memref<1000000x64xf32, #tpu.memory_space<hbm>> -> memref<1000000x64xf32, #tpu.memory_space<hbm>>
    tpu.enqueue_indirect_dma source(%dma_start3A_8 : memref<1000000x64xf32, #tpu.memory_space<hbm>>) target(%arg6 : memref<128x64xf32, #tpu.memory_space<vmem>>) offsets(%dma_start3A_5 : memref<128xi32, #tpu.memory_space<vmem>>) semaphore(%arg8 : memref<!tpu.dma_semaphore, #tpu.memory_space<semaphore_mem>>)
    %scan3A = arith.constant 0 : i32
    %scan3A_9 = arith.constant 0 : i32
    %scan3A_10 = arith.constant 100 : i32
    %scan3A_11 = arith.addi %scan3A_9, %scan3A_10 : i32
    %scan3A_12 = arith.constant 1 : i32
    scf.for %scan3A_25 = %scan3A_9 to %scan3A_11 step %scan3A_12  : i32 {
      %mul3A_26 = arith.constant 2 : i32
      %mul3A_27 = arith.muli %mul3A_26, %scan3A_25 : i32
      %add3A_28 = arith.constant 1 : i32
      %add3A_29 = arith.addi %mul3A_27, %add3A_28 : i32
      %dma_start3A_30 = arith.constant 0 : i32
      %dma_start3A_31 = tpu.memref_slice %arg5[%add3A_29, %dma_start3A_30] : memref<200x128xi32, #tpu.memory_space<vmem>> -> memref<1x128xi32, #tpu.memory_space<vmem>>
      %dma_start3A_32 = tpu.memref_squeeze %dma_start3A_31 : memref<1x128xi32, #tpu.memory_space<vmem>> -> memref<128xi32, #tpu.memory_space<vmem>>
      %dma_start3A_33 = arith.constant 0 : i32
      %dma_start3A_34 = arith.constant 0 : i32
      %dma_start3A_35 = tpu.memref_slice %arg3[%dma_start3A_33, %dma_start3A_34] : memref<1000000x64xf32, #tpu.memory_space<hbm>> -> memref<1000000x64xf32, #tpu.memory_space<hbm>>
      tpu.enqueue_indirect_dma source(%dma_start3A_35 : memref<1000000x64xf32, #tpu.memory_space<hbm>>) target(%arg7 : memref<128x64xf32, #tpu.memory_space<vmem>>) offsets(%dma_start3A_32 : memref<128xi32, #tpu.memory_space<vmem>>) semaphore(%arg9 : memref<!tpu.dma_semaphore, #tpu.memory_space<semaphore_mem>>)
      %dma_wait3A_36 = arith.constant 0 : i32
      %dma_wait3A_37 = arith.constant 0 : i32
      %dma_wait3A_38 = tpu.memref_slice %arg5[%dma_wait3A_36, %dma_wait3A_37] : memref<200x128xi32, #tpu.memory_space<vmem>> -> memref<1x128xi32, #tpu.memory_space<vmem>>
      %dma_wait3A_39 = tpu.memref_squeeze %dma_wait3A_38 : memref<1x128xi32, #tpu.memory_space<vmem>> -> memref<128xi32, #tpu.memory_space<vmem>>
      %dma_wait3A_40 = arith.constant 0 : i32
      %dma_wait3A_41 = arith.constant 0 : i32
      %dma_wait3A_42 = tpu.memref_slice %arg3[%dma_wait3A_40, %dma_wait3A_41] : memref<1000000x64xf32, #tpu.memory_space<hbm>> -> memref<1000000x64xf32, #tpu.memory_space<hbm>>
      tpu.wait_indirect_dma semaphore(%arg8 : memref<!tpu.dma_semaphore, #tpu.memory_space<semaphore_mem>>) src(%dma_wait3A_42 : memref<1000000x64xf32, #tpu.memory_space<hbm>>) dst(%arg6 : memref<128x64xf32, #tpu.memory_space<vmem>>)
      %gt3A = arith.constant 0 : i32
      %gt3A_43 = arith.cmpi sgt, %mul3A_27, %gt3A : i32
      %convert_element_type3A = arith.extui %gt3A_43 : i1 to i32
      %cond3A = arith.constant 0 : i32
      %cond3A_44 = arith.cmpi ne, %convert_element_type3A, %cond3A : i32
      scf.if %cond3A_44 {
        %dma_wait3A_185 = arith.constant 0 : i32
        %dma_wait3A_186 = arith.constant 0 : i32
        %dma_wait3A_187 = tpu.memref_slice %arg4[%dma_wait3A_185, %dma_wait3A_186] : memref<409600x128xf32, #tpu.memory_space<hbm>> -> memref<128x64xf32, #tpu.memory_space<hbm>>
        %dma_wait3A_188 = arith.constant 0 : i32
        %dma_wait3A_189 = arith.constant 0 : i32
        %dma_wait3A_190 = tpu.memref_slice %arg4[%dma_wait3A_188, %dma_wait3A_189] : memref<409600x128xf32, #tpu.memory_space<hbm>> -> memref<128x64xf32, #tpu.memory_space<hbm>>
        tpu.wait_dma2 semaphore(%arg10 : memref<!tpu.dma_semaphore, #tpu.memory_space<semaphore_mem>>) src(%arg6 : memref<128x64xf32, #tpu.memory_space<vmem>>) dst(%dma_wait3A_190 : memref<128x64xf32, #tpu.memory_space<hbm>>)
      } else {
      }
      %add3A_45 = arith.addi %mul3A_2, %mul3A_27 : i32
      %jit3A = arith.constant 128 : i32
      %div3A = arith.divsi %add3A_45, %jit3A : i32
      %sign3A = arith.constant 0 : i32
      %sign3A_46 = arith.cmpi sgt, %add3A_45, %sign3A : i32
      %sign3A_47 = arith.extui %sign3A_46 : i1 to i32
      %sign3A_48 = arith.constant 0 : i32
      %sign3A_49 = arith.cmpi slt, %add3A_45, %sign3A_48 : i32
      %sign3A_50 = arith.extui %sign3A_49 : i1 to i32
      %sign3A_51 = arith.subi %sign3A_47, %sign3A_50 : i32
      %sign3A_52 = arith.constant 0 : i32
      %sign3A_53 = arith.cmpi sgt, %jit3A, %sign3A_52 : i32
      %sign3A_54 = arith.extui %sign3A_53 : i1 to i32
      %sign3A_55 = arith.constant 0 : i32
      %sign3A_56 = arith.cmpi slt, %jit3A, %sign3A_55 : i32
      %sign3A_57 = arith.extui %sign3A_56 : i1 to i32
      %sign3A_58 = arith.subi %sign3A_54, %sign3A_57 : i32
      %ne3A = arith.cmpi ne, %sign3A_51, %sign3A_58 : i32
      %rem3A = arith.remsi %add3A_45, %jit3A : i32
      %ne3A_59 = arith.constant 0 : i32
      %ne3A_60 = arith.cmpi ne, %rem3A, %ne3A_59 : i32
      %and3A = arith.andi %ne3A, %ne3A_60 : i1
      %sub3A = arith.constant 1 : i32
      %sub3A_61 = arith.subi %div3A, %sub3A : i32
      %select_n3A = arith.select %and3A, %sub3A_61, %div3A : i32
      %mul3A_62 = arith.constant 128 : i32
      %mul3A_63 = arith.muli %select_n3A, %mul3A_62 : i32
      %sub3A_64 = arith.subi %add3A_45, %mul3A_63 : i32
      %jit3A_65 = arith.constant 64 : i32
      %div3A_66 = arith.divsi %sub3A_64, %jit3A_65 : i32
      %sign3A_67 = arith.constant 0 : i32
      %sign3A_68 = arith.cmpi sgt, %sub3A_64, %sign3A_67 : i32
      %sign3A_69 = arith.extui %sign3A_68 : i1 to i32
      %sign3A_70 = arith.constant 0 : i32
      %sign3A_71 = arith.cmpi slt, %sub3A_64, %sign3A_70 : i32
      %sign3A_72 = arith.extui %sign3A_71 : i1 to i32
      %sign3A_73 = arith.subi %sign3A_69, %sign3A_72 : i32
      %sign3A_74 = arith.constant 0 : i32
      %sign3A_75 = arith.cmpi sgt, %jit3A_65, %sign3A_74 : i32
      %sign3A_76 = arith.extui %sign3A_75 : i1 to i32
      %sign3A_77 = arith.constant 0 : i32
      %sign3A_78 = arith.cmpi slt, %jit3A_65, %sign3A_77 : i32
      %sign3A_79 = arith.extui %sign3A_78 : i1 to i32
      %sign3A_80 = arith.subi %sign3A_76, %sign3A_79 : i32
      %ne3A_81 = arith.cmpi ne, %sign3A_73, %sign3A_80 : i32
      %rem3A_82 = arith.remsi %sub3A_64, %jit3A_65 : i32
      %ne3A_83 = arith.constant 0 : i32
      %ne3A_84 = arith.cmpi ne, %rem3A_82, %ne3A_83 : i32
      %and3A_85 = arith.andi %ne3A_81, %ne3A_84 : i1
      %sub3A_86 = arith.constant 1 : i32
      %sub3A_87 = arith.subi %div3A_66, %sub3A_86 : i32
      %select_n3A_88 = arith.select %and3A_85, %sub3A_87, %div3A_66 : i32
      %mul3A_89 = arith.constant 64 : i32
      %mul3A_90 = arith.muli %select_n3A_88, %mul3A_89 : i32
      %sub3A_91 = arith.subi %sub3A_64, %mul3A_90 : i32
      %mul3A_92 = arith.constant 8192 : i32
      %mul3A_93 = arith.muli %select_n3A, %mul3A_92 : i32
      %mul3A_94 = arith.constant 128 : i32
      %mul3A_95 = arith.muli %sub3A_91, %mul3A_94 : i32
      %add3A_96 = arith.addi %mul3A_93, %mul3A_95 : i32
      %mul3A_97 = arith.constant 64 : i32
      %mul3A_98 = arith.muli %select_n3A_88, %mul3A_97 : i32
      %dma_start3A_99 = tpu.memref_slice %arg4[%add3A_96, %mul3A_98] : memref<409600x128xf32, #tpu.memory_space<hbm>> -> memref<128x64xf32, #tpu.memory_space<hbm>>
      %dma_start3A_100 = tpu.memref_slice %arg4[%add3A_96, %mul3A_98] : memref<409600x128xf32, #tpu.memory_space<hbm>> -> memref<128x64xf32, #tpu.memory_space<hbm>>
      tpu.enqueue_dma source(%arg6 : memref<128x64xf32, #tpu.memory_space<vmem>>) target(%dma_start3A_100 : memref<128x64xf32, #tpu.memory_space<hbm>>) target_semaphore(%arg10 : memref<!tpu.dma_semaphore, #tpu.memory_space<semaphore_mem>>)
      %add3A_101 = arith.constant 2 : i32
      %add3A_102 = arith.addi %mul3A_27, %add3A_101 : i32
      %lt3A = arith.constant 200 : i32
      %lt3A_103 = arith.cmpi slt, %add3A_102, %lt3A : i32
      %convert_element_type3A_104 = arith.extui %lt3A_103 : i1 to i32
      %cond3A_105 = arith.constant 0 : i32
      %cond3A_106 = arith.cmpi ne, %convert_element_type3A_104, %cond3A_105 : i32
      scf.if %cond3A_106 {
        %add3A_185 = arith.constant 2 : i32
        %add3A_186 = arith.addi %mul3A_27, %add3A_185 : i32
        %dma_start3A_187 = arith.constant 0 : i32
        %dma_start3A_188 = tpu.memref_slice %arg5[%add3A_186, %dma_start3A_187] : memref<200x128xi32, #tpu.memory_space<vmem>> -> memref<1x128xi32, #tpu.memory_space<vmem>>
        %dma_start3A_189 = tpu.memref_squeeze %dma_start3A_188 : memref<1x128xi32, #tpu.memory_space<vmem>> -> memref<128xi32, #tpu.memory_space<vmem>>
        %dma_start3A_190 = arith.constant 0 : i32
        %dma_start3A_191 = arith.constant 0 : i32
        %dma_start3A_192 = tpu.memref_slice %arg3[%dma_start3A_190, %dma_start3A_191] : memref<1000000x64xf32, #tpu.memory_space<hbm>> -> memref<1000000x64xf32, #tpu.memory_space<hbm>>
        tpu.enqueue_indirect_dma source(%dma_start3A_192 : memref<1000000x64xf32, #tpu.memory_space<hbm>>) target(%arg6 : memref<128x64xf32, #tpu.memory_space<vmem>>) offsets(%dma_start3A_189 : memref<128xi32, #tpu.memory_space<vmem>>) semaphore(%arg8 : memref<!tpu.dma_semaphore, #tpu.memory_space<semaphore_mem>>)
      } else {
      }
      %dma_wait3A_107 = arith.constant 0 : i32
      %dma_wait3A_108 = arith.constant 0 : i32
      %dma_wait3A_109 = tpu.memref_slice %arg5[%dma_wait3A_107, %dma_wait3A_108] : memref<200x128xi32, #tpu.memory_space<vmem>> -> memref<1x128xi32, #tpu.memory_space<vmem>>
      %dma_wait3A_110 = tpu.memref_squeeze %dma_wait3A_109 : memref<1x128xi32, #tpu.memory_space<vmem>> -> memref<128xi32, #tpu.memory_space<vmem>>
      %dma_wait3A_111 = arith.constant 0 : i32
      %dma_wait3A_112 = arith.constant 0 : i32
      %dma_wait3A_113 = tpu.memref_slice %arg3[%dma_wait3A_111, %dma_wait3A_112] : memref<1000000x64xf32, #tpu.memory_space<hbm>> -> memref<1000000x64xf32, #tpu.memory_space<hbm>>
      tpu.wait_indirect_dma semaphore(%arg9 : memref<!tpu.dma_semaphore, #tpu.memory_space<semaphore_mem>>) src(%dma_wait3A_113 : memref<1000000x64xf32, #tpu.memory_space<hbm>>) dst(%arg7 : memref<128x64xf32, #tpu.memory_space<vmem>>)
      %gt3A_114 = arith.constant 0 : i32
      %gt3A_115 = arith.cmpi sgt, %mul3A_27, %gt3A_114 : i32
      %convert_element_type3A_116 = arith.extui %gt3A_115 : i1 to i32
      %cond3A_117 = arith.constant 0 : i32
      %cond3A_118 = arith.cmpi ne, %convert_element_type3A_116, %cond3A_117 : i32
      scf.if %cond3A_118 {
        %dma_wait3A_185 = arith.constant 0 : i32
        %dma_wait3A_186 = arith.constant 0 : i32
        %dma_wait3A_187 = tpu.memref_slice %arg4[%dma_wait3A_185, %dma_wait3A_186] : memref<409600x128xf32, #tpu.memory_space<hbm>> -> memref<128x64xf32, #tpu.memory_space<hbm>>
        %dma_wait3A_188 = arith.constant 0 : i32
        %dma_wait3A_189 = arith.constant 0 : i32
        %dma_wait3A_190 = tpu.memref_slice %arg4[%dma_wait3A_188, %dma_wait3A_189] : memref<409600x128xf32, #tpu.memory_space<hbm>> -> memref<128x64xf32, #tpu.memory_space<hbm>>
        tpu.wait_dma2 semaphore(%arg11 : memref<!tpu.dma_semaphore, #tpu.memory_space<semaphore_mem>>) src(%arg7 : memref<128x64xf32, #tpu.memory_space<vmem>>) dst(%dma_wait3A_190 : memref<128x64xf32, #tpu.memory_space<hbm>>)
      } else {
      }
      %add3A_119 = arith.constant 1 : i32
      %add3A_120 = arith.addi %mul3A_27, %add3A_119 : i32
      %add3A_121 = arith.addi %mul3A_2, %add3A_120 : i32
      %jit3A_122 = arith.constant 128 : i32
      %div3A_123 = arith.divsi %add3A_121, %jit3A_122 : i32
      %sign3A_124 = arith.constant 0 : i32
      %sign3A_125 = arith.cmpi sgt, %add3A_121, %sign3A_124 : i32
      %sign3A_126 = arith.extui %sign3A_125 : i1 to i32
      %sign3A_127 = arith.constant 0 : i32
      %sign3A_128 = arith.cmpi slt, %add3A_121, %sign3A_127 : i32
      %sign3A_129 = arith.extui %sign3A_128 : i1 to i32
      %sign3A_130 = arith.subi %sign3A_126, %sign3A_129 : i32
      %sign3A_131 = arith.constant 0 : i32
      %sign3A_132 = arith.cmpi sgt, %jit3A_122, %sign3A_131 : i32
      %sign3A_133 = arith.extui %sign3A_132 : i1 to i32
      %sign3A_134 = arith.constant 0 : i32
      %sign3A_135 = arith.cmpi slt, %jit3A_122, %sign3A_134 : i32
      %sign3A_136 = arith.extui %sign3A_135 : i1 to i32
      %sign3A_137 = arith.subi %sign3A_133, %sign3A_136 : i32
      %ne3A_138 = arith.cmpi ne, %sign3A_130, %sign3A_137 : i32
      %rem3A_139 = arith.remsi %add3A_121, %jit3A_122 : i32
      %ne3A_140 = arith.constant 0 : i32
      %ne3A_141 = arith.cmpi ne, %rem3A_139, %ne3A_140 : i32
      %and3A_142 = arith.andi %ne3A_138, %ne3A_141 : i1
      %sub3A_143 = arith.constant 1 : i32
      %sub3A_144 = arith.subi %div3A_123, %sub3A_143 : i32
      %select_n3A_145 = arith.select %and3A_142, %sub3A_144, %div3A_123 : i32
      %mul3A_146 = arith.constant 128 : i32
      %mul3A_147 = arith.muli %select_n3A_145, %mul3A_146 : i32
      %sub3A_148 = arith.subi %add3A_121, %mul3A_147 : i32
      %jit3A_149 = arith.constant 64 : i32
      %div3A_150 = arith.divsi %sub3A_148, %jit3A_149 : i32
      %sign3A_151 = arith.constant 0 : i32
      %sign3A_152 = arith.cmpi sgt, %sub3A_148, %sign3A_151 : i32
      %sign3A_153 = arith.extui %sign3A_152 : i1 to i32
      %sign3A_154 = arith.constant 0 : i32
      %sign3A_155 = arith.cmpi slt, %sub3A_148, %sign3A_154 : i32
      %sign3A_156 = arith.extui %sign3A_155 : i1 to i32
      %sign3A_157 = arith.subi %sign3A_153, %sign3A_156 : i32
      %sign3A_158 = arith.constant 0 : i32
      %sign3A_159 = arith.cmpi sgt, %jit3A_149, %sign3A_158 : i32
      %sign3A_160 = arith.extui %sign3A_159 : i1 to i32
      %sign3A_161 = arith.constant 0 : i32
      %sign3A_162 = arith.cmpi slt, %jit3A_149, %sign3A_161 : i32
      %sign3A_163 = arith.extui %sign3A_162 : i1 to i32
      %sign3A_164 = arith.subi %sign3A_160, %sign3A_163 : i32
      %ne3A_165 = arith.cmpi ne, %sign3A_157, %sign3A_164 : i32
      %rem3A_166 = arith.remsi %sub3A_148, %jit3A_149 : i32
      %ne3A_167 = arith.constant 0 : i32
      %ne3A_168 = arith.cmpi ne, %rem3A_166, %ne3A_167 : i32
      %and3A_169 = arith.andi %ne3A_165, %ne3A_168 : i1
      %sub3A_170 = arith.constant 1 : i32
      %sub3A_171 = arith.subi %div3A_150, %sub3A_170 : i32
      %select_n3A_172 = arith.select %and3A_169, %sub3A_171, %div3A_150 : i32
      %mul3A_173 = arith.constant 64 : i32
      %mul3A_174 = arith.muli %select_n3A_172, %mul3A_173 : i32
      %sub3A_175 = arith.subi %sub3A_148, %mul3A_174 : i32
      %mul3A_176 = arith.constant 8192 : i32
      %mul3A_177 = arith.muli %select_n3A_145, %mul3A_176 : i32
      %mul3A_178 = arith.constant 128 : i32
      %mul3A_179 = arith.muli %sub3A_175, %mul3A_178 : i32
      %add3A_180 = arith.addi %mul3A_177, %mul3A_179 : i32
      %mul3A_181 = arith.constant 64 : i32
      %mul3A_182 = arith.muli %select_n3A_172, %mul3A_181 : i32
      %dma_start3A_183 = tpu.memref_slice %arg4[%add3A_180, %mul3A_182] : memref<409600x128xf32, #tpu.memory_space<hbm>> -> memref<128x64xf32, #tpu.memory_space<hbm>>
      %dma_start3A_184 = tpu.memref_slice %arg4[%add3A_180, %mul3A_182] : memref<409600x128xf32, #tpu.memory_space<hbm>> -> memref<128x64xf32, #tpu.memory_space<hbm>>
      tpu.enqueue_dma source(%arg7 : memref<128x64xf32, #tpu.memory_space<vmem>>) target(%dma_start3A_184 : memref<128x64xf32, #tpu.memory_space<hbm>>) target_semaphore(%arg11 : memref<!tpu.dma_semaphore, #tpu.memory_space<semaphore_mem>>)
    }
    %scan3A_13 = arith.constant 100 : i32
    %dma_wait3A = arith.constant 0 : i32
    %dma_wait3A_14 = arith.constant 0 : i32
    %dma_wait3A_15 = tpu.memref_slice %arg4[%dma_wait3A, %dma_wait3A_14] : memref<409600x128xf32, #tpu.memory_space<hbm>> -> memref<128x64xf32, #tpu.memory_space<hbm>>
    %dma_wait3A_16 = arith.constant 0 : i32
    %dma_wait3A_17 = arith.constant 0 : i32
    %dma_wait3A_18 = tpu.memref_slice %arg4[%dma_wait3A_16, %dma_wait3A_17] : memref<409600x128xf32, #tpu.memory_space<hbm>> -> memref<128x64xf32, #tpu.memory_space<hbm>>
    tpu.wait_dma2 semaphore(%arg10 : memref<!tpu.dma_semaphore, #tpu.memory_space<semaphore_mem>>) src(%arg6 : memref<128x64xf32, #tpu.memory_space<vmem>>) dst(%dma_wait3A_18 : memref<128x64xf32, #tpu.memory_space<hbm>>)
    %dma_wait3A_19 = arith.constant 0 : i32
    %dma_wait3A_20 = arith.constant 0 : i32
    %dma_wait3A_21 = tpu.memref_slice %arg4[%dma_wait3A_19, %dma_wait3A_20] : memref<409600x128xf32, #tpu.memory_space<hbm>> -> memref<128x64xf32, #tpu.memory_space<hbm>>
    %dma_wait3A_22 = arith.constant 0 : i32
    %dma_wait3A_23 = arith.constant 0 : i32
    %dma_wait3A_24 = tpu.memref_slice %arg4[%dma_wait3A_22, %dma_wait3A_23] : memref<409600x128xf32, #tpu.memory_space<hbm>> -> memref<128x64xf32, #tpu.memory_space<hbm>>
    tpu.wait_dma2 semaphore(%arg11 : memref<!tpu.dma_semaphore, #tpu.memory_space<semaphore_mem>>) src(%arg7 : memref<128x64xf32, #tpu.memory_space<vmem>>) dst(%dma_wait3A_24 : memref<128x64xf32, #tpu.memory_space<hbm>>)
    return
  }
}

module attributes {stable_mosaic.version = 14 : i64} {
  func.func @_tc_body(%arg0: i32, %arg1: memref<8192x128xf32, #tpu.memory_space<vmem>>, %arg2: memref<1x64x16384xf32, #tpu.memory_space<vmem>>) attributes {dimension_semantics = [#tpu.dimension_semantics<arbitrary>], iteration_bounds = array<i64: 50>, scalar_prefetch = 0 : i64, scratch_operands = 0 : i64, tpu.core_type = #tpu.core_type<tc>, window_params = [{transform_indices = @transform_0, window_bounds = array<i64: 8192, 128>}, {transform_indices = @transform_1, window_bounds = array<i64: 1, 64, 16384>}]} {
    %get3A = arith.constant 0 : index
    %get3A_0 = arith.constant 0 : index
    %get3A_1 = vector.load %arg1[%get3A, %get3A_0] : memref<8192x128xf32, #tpu.memory_space<vmem>>, vector<8192x128xf32>
    %transpose3A = tpu.transpose %get3A_1, [1, 0] : vector<8192x128xf32> -> vector<128x8192xf32>
    %slice3A = vector.extract_strided_slice %transpose3A {offsets = [0, 0], sizes = [64, 8192], strides = [1, 1]} : vector<128x8192xf32> to vector<64x8192xf32>
    %swap3A = arith.constant 0 : index
    %swap3A_2 = arith.constant 0 : index
    %swap3A_3 = arith.constant 0 : index
    %swap3A_4 = vector.load %arg2[%swap3A, %swap3A_2, %swap3A_3] : memref<1x64x16384xf32, #tpu.memory_space<vmem>>, vector<1x64x8192xf32>
    %swap3A_5 = vector.shape_cast %swap3A_4 : vector<1x64x8192xf32> to vector<64x8192xf32>
    %swap3A_6 = vector.shape_cast %slice3A : vector<64x8192xf32> to vector<1x64x8192xf32>
    tpu.vector_store %arg2[%swap3A, %swap3A_2, %swap3A_3], %swap3A_6 {strides = array<i32>} : memref<1x64x16384xf32, #tpu.memory_space<vmem>>, vector<1x64x8192xf32>,
    %slice3A_7 = vector.extract_strided_slice %transpose3A {offsets = [64, 0], sizes = [64, 8192], strides = [1, 1]} : vector<128x8192xf32> to vector<64x8192xf32>
    %swap3A_8 = arith.constant 0 : index
    %swap3A_9 = arith.constant 0 : index
    %swap3A_10 = arith.constant 8192 : index
    %swap3A_11 = vector.load %arg2[%swap3A_8, %swap3A_9, %swap3A_10] : memref<1x64x16384xf32, #tpu.memory_space<vmem>>, vector<1x64x8192xf32>
    %swap3A_12 = vector.shape_cast %swap3A_11 : vector<1x64x8192xf32> to vector<64x8192xf32>
    %swap3A_13 = vector.shape_cast %slice3A_7 : vector<64x8192xf32> to vector<1x64x8192xf32>
    tpu.vector_store %arg2[%swap3A_8, %swap3A_9, %swap3A_10], %swap3A_13 {strides = array<i32>} : memref<1x64x16384xf32, #tpu.memory_space<vmem>>, vector<1x64x8192xf32>,
    return
  }
  func.func @transform_0(%arg0: i32) -> (i32, i32) {
    %c0_i32 = arith.constant 0 : i32
    %c0_i32_0 = arith.constant 0 : i32
    return %arg0, %c0_i32 : i32, i32
  }
  func.func @transform_1(%arg0: i32) -> (i32, i32, i32) {
    %c0_i32 = arith.constant 0 : i32
    %c0_i32_0 = arith.constant 0 : i32
    %c0_i32_1 = arith.constant 0 : i32
    return %arg0, %c0_i32, %c0_i32_0 : i32, i32, i32
  }
}

</mosaic_0001>

<sc_bundles>
// kernel: kernel.4.cloned.1.call-start
scs
__scs_entry_jumppad:
0x0: {  	(pc) =	sbr.rel $0x88, $3  }
0x1: {  	(tag) =	ssettag $0x0;
	lr =	simm.s32 $0x1  }
0x2: {  	[smem:$0x3F9F] =	sst lr;
	_ =	strace $0xD0000000  }
0x3: {  	_ = 	snop  }
0x4: {  	_ = 	snop  }
0x5: {  	_ = 	snop  }
0x6: {  	_ = 	snop  }
0x7: {  	_ = 	snop  }
__scs_overlays_trampoline_lowered:
0x8: {  	[smem:$0x3FAE] =	sst s0  }
0x9: {  	[smem:$0x3FAF] =	sst s1  }
0xa: {  	[smem:$0x3FB0] =	sst s2  }
0xb: {  	[smem:$0x3FB1] =	sst s3  }
0xc: {  	[smem:$0x3FB2] =	sst s4  }
0xd: {  	[smem:$0x3FB3] =	sst s5  }
0xe: {  	[smem:$0x3FB4] =	sst s6  }
0xf: {  	[smem:$0x3FB5] =	sst s7  }
0x10: {  	[smem:$0x3FB6] =	sst s8  }
0x11: {  	[smem:$0x3FB7] =	sst s9;
	s0 =	simm.s32 @!p0 $0x0  }
0x12: {  	s1 =	sld [smem:$0x3F9D];
	s0 =	simm.s32 @p0 $0x1  }
0x13: {  	[smem:$0x3FB8] =	sst s0;
	s0 =	simm.s32 @!p1 $0x0  }
0x14: {  	s2 =	sld [smem:$0x3F9C];
	s0 =	simm.s32 @p1 $0x1  }
0x15: {  	[smem:$0x3FB9] =	sst s0;
	s0 =	simm.s32 @!p2 $0x0  }
0x16: {  	s3 =	sld [smem:$0x3FDB];
	s0 =	simm.s32 @p2 $0x1  }
0x17: {  	s4 =	simm.s32 $0x1BF5;
	[smem:$0x3FBB] =	sst s0  }
0x18: {  	s0 =	sld [smem:$0x3F9E];
	_ =	swait.ge [sflag:s4], $0x0  }
0x19: {  	s7 =	sld [smem:$0x3F9F]  }
0x1a: {  	s8 =	sadd.s32 $0xFFFFE003, lr  }
0x1b: {  	s9 =	sadd.s32 $0xFFFFFEF7, lr;
	s5 =	simm.s32 $0xFFFFFFFF;
	p2 =	slt.u32 s8, $0xFFFFF086  }
0x1c: {  	p1 =	slt.u32 s9, $0xF7A;
	s5 =	simm.s32 @!p2 $0x0  }
0x1d: {  	s5 =	simm.s32 @p1 $0x1;
	p0 =	seq.s32 s7, s2  }
0x1e: {  	s7 =	smul.u32 @!p0 $0xF7A, s2;
	p2 =	seq.s32 @!p0 s5, $0x0  }
0x1f: {  	s9 =	smul.u32 $0xF7A, s1;
	s8 =	simm.s32 @!p0 $0x1BF5;
	p2 =	por !p2, p0  }
0x20: {  	[sflag:s8] =	ssyncset.s32 @!p0 $0xFFFFF086;
	s6 =	sadd.s32 @!p0 s3, s7;
	s7 =	simm.s32 @!p0 $0x108  }
0x21: {  	s3 =	sadd.s32 s3, s9;
	s6 =	sadd.s32 @!p0 $0x88, s6;
	s7 =	simm.s32 @p2 $0x1082  }
0x22: {  	[simem:s7], [sflag:s8] =	dma.local @!p0 [hbm:s6], $0xF7A  }
0x23: {  	s9 =	sor.u32 $0xD0000000, s2;
	s6 =	simm.s32 $0x108;
	_ =	swait.ge @!p0 [sflag:s8], $0x0  }
0x24: {  	s3 =	sadd.s32 $0x88, s3;
	s6 =	simm.s32 @!p1 $0x1082;
	[sflag:s4] =	ssyncset.s32 $0xFFFFF086  }
0x25: {  	[simem:s6], [sflag:s4] =	dma.local [hbm:s3], $0xF7A  }
0x26: {  	[smem:$0x3F9F] =	sst s1;
	(tag) =	ssettag s2;
	_ =	strace s9  }
0x27: {  	s1 =	sld [smem:$0x3FAF]  }
0x28: {  	s2 =	sld [smem:$0x3FB0]  }
0x29: {  	s4 =	sld [smem:$0x3FB2]  }
0x2a: {  	p0 =	seq.s32 s5, $0x0;
	s5 =	sld [smem:$0x3FB3]  }
0x2b: {  	s6 =	sld [smem:$0x3FB4]  }
0x2c: {  	s7 =	sld [smem:$0x3FB5]  }
0x2d: {  	s3 =	simm.s32 $0x108;
	s8 =	sld [smem:$0x3FB6]  }
0x2e: {  	s3 =	simm.s32 @!p0 $0x1082;
	s9 =	sld [smem:$0x3FB7]  }
0x2f: {  	lr =	sadd.s32 s0, s3;
	s0 =	sld [smem:$0x3FAE]  }
0x30: {  	s3 =	sld [smem:$0x3FB1]  }
0x31: {  	[smem:$0x3FBA] =	sst s10  }
0x32: {  	s10 =	sld [smem:$0x3FB8];
	_ =	sdelay $0x3  }
0x33: {  	p0 =	seq.s32 s10, $0x1;
	s10 =	sld [smem:$0x3FBA];
	_ =	sdelay $0x3  }
0x34: {  	[smem:$0x3FBA] =	sst s10  }
0x35: {  	s10 =	sld [smem:$0x3FB9];
	_ =	sdelay $0x3  }
0x36: {  	p1 =	seq.s32 s10, $0x1;
	s10 =	sld [smem:$0x3FBA];
	_ =	sdelay $0x3  }
0x37: {  	[smem:$0x3FBA] =	sst s10  }
0x38: {  	s10 =	sld [smem:$0x3FBB]  }
0x39: {  	_ = 	snop;
	(pc) =	sbr.ind lr, $3  }
0x3a: {  	_ = 	snop  }
0x3b: {  	_ = 	snop  }
0x3c: {  	p2 =	seq.s32 s10, $0x1;
	s10 =	sld [smem:$0x3FBA]  }
0x3d: {  	_ =	shalt  }
0x3e: {  	_ =	shalt  }
0x3f: {  	_ =	shalt  }
0x40: {  	_ =	shalt  }
0x41: {  	_ =	shalt  }
0x42: {  	_ =	shalt  }
0x43: {  	_ =	shalt  }
0x44: {  	_ =	shalt  }
0x45: {  	_ =	shalt  }
0x46: {  	_ =	shalt  }
0x47: {  	_ =	shalt  }
0x48: {  	_ =	shalt  }
0x49: {  	_ =	shalt  }
0x4a: {  	_ =	shalt  }
0x4b: {  	_ =	shalt  }
0x4c: {  	_ =	shalt  }
0x4d: {  	_ =	shalt  }
0x4e: {  	_ =	shalt  }
0x4f: {  	_ =	shalt  }
0x50: {  	_ =	shalt  }
0x51: {  	_ =	shalt  }
0x52: {  	_ =	shalt  }
0x53: {  	_ =	shalt  }
0x54: {  	_ =	shalt  }
0x55: {  	_ =	shalt  }
0x56: {  	_ =	shalt  }
0x57: {  	_ =	shalt  }
0x58: {  	_ =	shalt  }
0x59: {  	_ =	shalt  }
0x5a: {  	_ =	shalt  }
0x5b: {  	_ =	shalt  }
0x5c: {  	_ =	shalt  }
0x5d: {  	_ =	shalt  }
0x5e: {  	_ =	shalt  }
0x5f: {  	_ =	shalt  }
0x60: {  	_ =	shalt  }
0x61: {  	_ =	shalt  }
0x62: {  	_ =	shalt  }
0x63: {  	_ =	shalt  }
0x64: {  	_ =	shalt  }
0x65: {  	_ =	shalt  }
0x66: {  	_ =	shalt  }
0x67: {  	_ =	shalt  }
0x68: {  	_ =	shalt  }
0x69: {  	_ =	shalt  }
0x6a: {  	_ =	shalt  }
0x6b: {  	_ =	shalt  }
0x6c: {  	_ =	shalt  }
0x6d: {  	_ =	shalt  }
0x6e: {  	_ =	shalt  }
0x6f: {  	_ =	shalt  }
0x70: {  	_ =	shalt  }
0x71: {  	_ =	shalt  }
0x72: {  	_ =	shalt  }
0x73: {  	_ =	shalt  }
0x74: {  	_ =	shalt  }
0x75: {  	_ =	shalt  }
0x76: {  	_ =	shalt  }
0x77: {  	_ =	shalt  }
0x78: {  	_ =	shalt  }
0x79: {  	_ =	shalt  }
0x7a: {  	_ =	shalt  }
0x7b: {  	_ =	shalt  }
0x7c: {  	_ =	shalt  }
0x7d: {  	_ =	shalt  }
0x7e: {  	_ =	shalt  }
0x7f: {  	_ =	shalt  }
0x80: {  	_ =	shalt  }
0x81: {  	_ =	shalt  }
0x82: {  	_ =	shalt  }
0x83: {  	_ =	shalt  }
0x84: {  	_ =	shalt  }
0x85: {  	_ =	shalt  }
0x86: {  	_ =	shalt  }
0x87: {  	_ =	shalt  }
.Lfunc_end0:
.L_simem_size_0:
called_computation_lowered:
.L_overlay_start_0:
0x88: {  	s2 =	sld [smem:$0x3FD9]  }
0x89: {  	s3 =	sld [smem:$0x3FFE];
	_ =	sdelay $0x1  }
0x8a: {  	s1 =	srdreg.scid  }
0x8b: {  	s0 =	sand.u32 $0x1, s1  }
0x8c: {  	s17 =	sshll.u32 s0, $0xA;
	s2 =	sadd.s32 s3, s2  }
0x8d: {  	s2 =	sadd.s32 s2, s17  }
0x8e: {  	[smem:$0x3FC6] =	sst s2  }
0x8f: {  	_ = 	snop  }
0x90: {  	s2 =	sld [smem:$0x3FD0];
	(tm) =	ssettm $0x1  }
0x91: {  	s18 =	sld [smem:$0x3FFB];
	_ =	sdelay $0x3  }
0x92: {  	_ =	strace s18  }
0x93: {  	s3 =	sld [smem:$0x3FFC];
	_ =	sdelay $0x3  }
0x94: {  	_ =	strace s3  }
0x95: {  	s3 =	sld [smem:$0x3FFD];
	_ =	sdelay $0x3  }
0x96: {  	_ =	strace s3  }
0x97: {  	_ =	strace $0x8FFFFFFF  }
0x98: {  	s19 =	sld [smem:$0x3FDB];
	_ =	sdelay $0x1  }
0x99: {  	s4 =	simm.s32 $_scs_section_size  }
0x9a: {  	s5 =	simm.s32 $_size__tile_overlayer_lowered;
	s6 =	simm.s32 $_tile_overlayer_lowered  }
0x9b: {  	s22 =	simm.s32 $0x1BFF;
	s21 =	sshll.u32 s6, $0x1;
	s3 =	sadd.s32 s4, s19  }
0x9c: {  	s7 =	simm.s32 $0x0;
	s20 =	sshll.u32 s5, $0x1;
	s5 =	sadd.s32 s21, s3  }
0x9d: {  	[timem:s7], [sflag:s22] =	dma.local [hbm:s5], s20  }
0x9e: {  	_ =	swait.ge [sflag:s22], s20  }
0x9f: {  	s4 =	ssub.s32 $0x0, s20;
	[sflag:s22] =	ssyncset.done $0x0  }
0xa0: {  	[sflag:s22] =	ssyncadd.s32 s4;
	_ =	sdelay $0x1  }
0xa1: {  	s23 =	simm.s32 $0x1B8B  }
0xa2: {  	_ =	swait.ge [sflag:s23], $0x1  }
0xa3: {  	[sflag:s23] =	ssyncset.done $0x0  }
0xa4: {  	s25 =	simm.s32 $0x1B8E;
	s24 =	sld [smem:$0x3FFE];
	[sflag:s23] =	ssyncadd.s32 $0xFFFFFFFF  }
0xa5: {  	s26 =	simm.s32 $execute0_lowered;
	[smem:$0x3FD2] =	sst s25  }
0xa6: {  	s5 =	sshll.u32 s26, $0x1;
	_ =	strace $0x80000046;
	[dreg:$0x1] =	wrdreg $0xFFFFFFFF  }
0xa7: {  	s28 =	simm.s32 $_size_execute0_lowered;
	s3 =	sadd.s32 s3, s5;
	[dreg:$0x0] =	wrdreg $0x0  }
0xa8: {  	s5 =	sshll.u32 s28, $0x1;
	[dreg:$0x2] =	wrdreg s3  }
0xa9: {  	[dreg:$0x3] =	wrdreg s5  }
0xaa: {  	[dreg:$0x4] =	wrdreg $0xC0  }
0xab: {  	_ =	task [dreg:s7], $0x5FFFF  }
0xac: {  	[dreg:$0x1] =	wrdreg $0xFFFFFFFF  }
0xad: {  	[dreg:$0x0] =	wrdreg $0x60  }
0xae: {  	[dreg:$0x2] =	wrdreg s2  }
0xaf: {  	[dreg:$0x3] =	wrdreg s24  }
0xb0: {  	[dreg:$0x4] =	wrdreg $0x9  }
0xb1: {  	_ =	task.clear_ibuf [dreg:s7], $0x5FFFF;
	_ =	strace $0x90000046  }
0xb2: {  	s29 =	simm.s32 $0x9;
	_ =	strace $0x80000048  }
0xb3: {  	_ =	swait.ge [sflag:s29], $0x1  }
0xb4: {  	[sflag:s29] =	ssyncadd.s32 $0xFFFFFFFF  }
0xb5: {  	_ =	strace $0x90000048  }
0xb6: {  	_ =	sfence  }
0xb7: {  	s30 =	sld [smem:$0x0];
	_ =	sdelay $0x2  }
0xb8: {  	s31 =	sshll.u32 s1, $0xD;
	s1 =	sshrl.u32 s1, $0x2  }
0xb9: {  	s3 =	sand.u32 $0x4000, s31;
	s1 =	sadd.s32 s1, s30  }
0xba: {  	s0 =	sor.u32 s3, s0;
	s1 =	sshll.u32 s1, $0x11  }
0xbb: {  	s0 =	sor.u32 s1, s0  }
0xbc: {  	s0 =	sadd.s32 $0x8F2B, s0  }
0xbd: {  	[sflag:s0] =	ssyncadd.remote.s32 $0x1  }
0xbe: {  	_ =	sfence.sel $0xFFFF  }
0xbf: {  	[dreg:$0x0] =	wrdreg $0xFFFFFFFF;
	(pc) =	sbr.abs _section_cstart, $3  }
0xc0: {  	[dreg:$0x1] =	wrdreg $0xFFFFFFFF  }
0xc1: {  	_ =	task.clear_ibuf [dreg:s7], $0x2FFFF;
	_ =	strace $0x9FFFFFFF  }
0xc2: {  	(tm) =	ssettm $0x7FFFFFFF  }
0xc3: {  	_ =	shalt  }
tec
execute0_lowered:
.L_overlay_start_1:
0x0: {  	(tag) =	ssettag $0x1  }
0x1: {  	s0 =	rddreg [dreg:$0x0]  }
0x2: {  	s1 =	rddreg [dreg:$0x1];
	s2 =	stileid.u32  }
0x3: {  	s3 =	srdreg.scid;
	s26 =	smul.u32 $0x640000, s2  }
0x4: {  	s4 =	simm.s32 $0x0;
	s17 =	simm.s32 $0x8400;
	s28 =	smul.u32 $0x320000, s2  }
0x5: {  	s18 =	simm.s32 $0x1;
	s9 =	sand.u32 $0x1, s3;
	s15 =	smul.u32 $0x190, s2  }
0x6: {  	s19 =	sshll.u32 s2, $0x1;
	[smem:$0x7FF] =	sst s4;
	s13 =	smul.u32 $0x320000, s9  }
0x7: {  	s3 =	sadd.s32 $0xF42A00, s1;
	s4 =	sadd.s32 $0x600, s1;
	s30 =	smul.u32 $0xC8, s9  }
0x8: {  	s20 =	sor.u32 s9, s19;
	_ =	strace $0x80000047;
	s16 =	smul.u32 $0x190000, s9  }
0x9: {  	s5 =	ssub.s32 $0x2, s9;
	s19 =	simm.s32 $0x40;
	s10 =	smul.u32 $0xC8, s20  }
0xa: {  	s6 =	smul.u32 $0x190000, s20;
	s7 =	sshll.u32 s20, $0x11;
	s8 =	sshrl.u32 s5, $0x1  }
0xb: {  	s11 =	smul.u32 $0xC80, s20;
	s21 =	ssub.s32 s5, s8;
	s31 =	sadd.s32 s30, s15  }
0xc: {  	s15 =	simm.s32 $0x80;
	s7 =	sor.u32 s10, s7;
	s6 =	sand.u32 $0x3F00000, s6  }
0xd: {  	s0 =	sadd.s32 s0, s11;
	s23 =	sadd.s32 $0xC6, s10;
	s1 =	smax.u32 s21, $0x1  }
0xe: {  	s10 =	sadd.s32 $0xC7, s10;
	s11 =	sadd.s32 s13, s26;
	s13 =	sor.u32 $0x3, s31  }
0xf: {  	s21 =	simm.s32 $0x2;
	s7 =	sand.u32 $0xE0040, s7;
	[dreg:$0x3] =	wrdreg s0  }
0x10: {  	[dreg:$0x4] =	wrdreg s1;
	s24 =	sshll.u32 s23, $0xD;
	s25 =	sshll.u32 s23, $0xE  }
0x11: {  	s12 =	sshll.u32 s10, $0xE;
	s14 =	sshll.u32 s10, $0xD;
	s6 =	sor.u32 s6, s7  }
0x12: {  	s0 =	sand.u32 $0x7F00000, s24;
	s1 =	sor.u32 s23, s25;
	s10 =	sor.u32 s10, s12  }
0x13: {  	s14 =	sand.u32 $0x7F00000, s14;
	s12 =	sadd.s32 s16, s28;
	s16 =	simm.s32 $0x6400  }
0x14: {  	s23 =	simm.s32 $0x4;
	s25 =	simm.s32 $0x0;
	s22 =	sshrl.u32 s6, $0x3  }
0x15: {  	s1 =	sand.u32 $0xF8040, s1;
	s10 =	sand.u32 $0xFC040, s10;
	s7 =	sadd.s32 s4, s22  }
0x16: {  	s0 =	sor.u32 s0, s1;
	s29 =	sor.u32 s14, s10;
	s14 =	simm.s32 $0x5  }
0x17: {  	s22 =	simm.s32 $0x3;
	s0 =	sshrl.u32 s0, $0x3;
	s1 =	sshrl.u32 s29, $0x3  }
0x18: {  	s8 =	sadd.s32 $0x800, s7;
	s9 =	sadd.s32 s4, s0;
	s10 =	sadd.s32 s4, s1  }
.LBB2_1:
0x19: {  	s0 =	simm.s32 $0x0;
	s1 =	rddreg [dreg:$0x3]  }
0x1a: {  	[tilespmem:s0], [sflag:$0x5] =	stream.linear.gather [hbm4b:s1+s0], $0x6400, $0x38;
	[tilespmem:$0xA400] =	vst v63  }
0x1b: {  	_ =	swait.ge [sflag:s14], $0x6400  }
0x1c: {  	[sflag:s14] =	ssyncset.done $0x0  }
0x1d: {  	[sflag:s14] =	ssyncadd.s32 $0xFFFF9C00  }
0x1e: {  	[tilespmem:s16], [sflag:$0x1] =	stream.indirect.gather [hbm4b:s3+s15], $0x40, s0, s15, $0xb8;
	[tilespmem:$0xA400] =	vst v63  }
0x1f: {  	_ = 	snop  }
0x20: {  	[tilespmem:s17], [sflag:$0x2] =	stream.indirect.gather [hbm4b:s3+s15], $0x40, s15, s15, $0xb8;
	[tilespmem:$0xA400] =	vst v63  }
0x21: {  	_ =	swait.ge [sflag:s18], $0x2000  }
0x22: {  	[sflag:s18] =	ssyncset.done $0x0  }
0x23: {  	[sflag:s18] =	ssyncadd.s32 $0xFFFFE000  }
0x24: {  	[hbm4b:s7+s19] =	stream.strided.scatter [tilespmem:s16], [sflag:$0x3], $0x2000, s15, s19, $0x38;
	[tilespmem:$0xA400] =	vst v63  }
0x25: {  	s5 =	simm.s32 $0x100;
	s6 =	sadd.s32 $0xC000, s11  }
0x26: {  	[tilespmem:s16], [sflag:$0x1] =	stream.indirect.gather [hbm4b:s3+s15], $0x40, s5, s15, $0xb8;
	[tilespmem:$0xA400] =	vst v63  }
0x27: {  	s24 =	sadd.s32 $0x6000, s12;
	s20 =	sand.u32 $0x40, s13;
	_ =	swait.ge [sflag:s21], $0x2000  }
0x28: {  	s30 =	sadd.s32 $0x8000, s11;
	s0 =	sand.u32 $0xFC000, s6;
	[sflag:s21] =	ssyncset.done $0x0  }
0x29: {  	s1 =	sand.u32 $0x7FF00000, s24;
	s0 =	sor.u32 s20, s0;
	[sflag:s21] =	ssyncadd.s32 $0xFFFFE000  }
0x2a: {  	[hbm4b:s8+s19] =	stream.strided.scatter [tilespmem:s17], [sflag:$0x4], $0x2000, s15, s19, $0x38;
	[tilespmem:$0xA400] =	vst v63  }
0x2b: {  	s26 =	simm.s32 $0x180;
	s2 =	sadd.s32 $0xFFFFFFFF, s13;
	s0 =	sor.u32 s1, s0  }
0x2c: {  	[tilespmem:s17], [sflag:$0x2] =	stream.indirect.gather [hbm4b:s3+s15], $0x40, s26, s15, $0xb8;
	[tilespmem:$0xA400] =	vst v63  }
0x2d: {  	s1 =	sshrl.u32 s0, $0x3;
	s0 =	sand.u32 $0x40, s2;
	_ =	swait.ge [sflag:s18], $0x2000  }
0x2e: {  	s5 =	sand.u32 $0xF8000, s30;
	s26 =	sadd.s32 $0x4000, s12;
	[sflag:s18] =	ssyncset.done $0x0  }
0x2f: {  	s0 =	sor.u32 s0, s5;
	s28 =	sand.u32 $0x7FF00000, s26;
	[sflag:s18] =	ssyncadd.s32 $0xFFFFE000  }
0x30: {  	s31 =	sadd.s32 $0x2, s13;
	s0 =	sor.u32 s28, s0;
	_ =	swait.ge [sflag:s22], $0x2000  }
0x31: {  	s29 =	simm.s32 $0x200;
	s0 =	sshrl.u32 s0, $0x3;
	[sflag:s22] =	ssyncset.done $0x0  }
0x32: {  	s28 =	sadd.s32 $0xC000, s30;
	s0 =	sadd.s32 s4, s0;
	[sflag:s22] =	ssyncadd.s32 $0xFFFFE000  }
0x33: {  	[hbm4b:s0+s19] =	stream.strided.scatter [tilespmem:s16], [sflag:$0x3], $0x2000, s15, s19, $0x38;
	[tilespmem:$0xA400] =	vst v63  }
0x34: {  	s24 =	sand.u32 $0x40, s31;
	s6 =	sadd.s32 $0x6000, s26;
	s28 =	sand.u32 $0xFC000, s28  }
0x35: {  	[tilespmem:s16], [sflag:$0x1] =	stream.indirect.gather [hbm4b:s3+s15], $0x40, s29, s15, $0xb8;
	[tilespmem:$0xA400] =	vst v63  }
0x36: {  	s20 =	sand.u32 $0x7FF00000, s6;
	s0 =	sor.u32 s24, s28;
	_ =	swait.ge [sflag:s21], $0x2000  }
0x37: {  	s30 =	sadd.s32 $0x8000, s30;
	s20 =	sor.u32 s20, s0;
	[sflag:s21] =	ssyncset.done $0x0  }
0x38: {  	s0 =	simm.s32 $0x800;
	s28 =	sshrl.u32 s20, $0x3;
	[sflag:s21] =	ssyncadd.s32 $0xFFFFE000  }
0x39: {  	s20 =	sadd.s32 s4, s1;
	s29 =	simm.s32 $0x100;
	_ =	swait.ge [sflag:s23], $0x2000  }
0x3a: {  	s1 =	sadd.s32 $0xFFFFFFFF, s31;
	s31 =	sadd.s32 $0x2, s31;
	[sflag:s23] =	ssyncset.done $0x0  }
.LBB2_2:
0x3b: {  	s26 =	sadd.s32 $0x4000, s26  }
0x3c: {  	s24 =	sand.u32 $0xF8000, s30;
	[sflag:s23] =	ssyncadd.s32 $0xFFFFE000;
	s2 =	smov.u32 s0  }
0x3d: {  	[hbm4b:s20+s19] =	stream.strided.scatter [tilespmem:s17], [sflag:$0x4], $0x2000, s15, s19, $0x38;
	[tilespmem:$0xA400] =	vst v63  }
0x3e: {  	s5 =	sand.u32 $0x40, s31;
	s6 =	sadd.s32 $0x180, s29;
	s20 =	sadd.s32 $0x6000, s26  }
0x3f: {  	[tilespmem:s17], [sflag:$0x2] =	stream.indirect.gather [hbm4b:s3+s15], $0x40, s6, s15, $0xb8;
	[tilespmem:$0xA400] =	vst v63  }
0x40: {  	s1 =	sand.u32 $0x40, s1;
	s6 =	sand.u32 $0x7FF00000, s20;
	_ =	swait.ge [sflag:s18], $0x2000  }
0x41: {  	s1 =	sor.u32 s1, s24;
	s20 =	sand.u32 $0x7FF00000, s26;
	[sflag:s18] =	ssyncset.done $0x0  }
0x42: {  	s24 =	sadd.s32 $0xC000, s30;
	s1 =	sor.u32 s20, s1;
	[sflag:s18] =	ssyncadd.s32 $0xFFFFE000  }
0x43: {  	s20 =	sand.u32 $0xFC000, s24;
	s1 =	sshrl.u32 s1, $0x3;
	_ =	swait.ge [sflag:s22], $0x2000  }
0x44: {  	s5 =	sor.u32 s5, s20;
	s1 =	sadd.s32 s4, s1;
	[sflag:s22] =	ssyncset.done $0x0  }
0x45: {  	s5 =	sor.u32 s6, s5;
	s6 =	sadd.s32 $0x400, s0;
	[sflag:s22] =	ssyncadd.s32 $0xFFFFE000  }
0x46: {  	[hbm4b:s1+s19] =	stream.strided.scatter [tilespmem:s16], [sflag:$0x3], $0x2000, s15, s19, $0x38;
	[tilespmem:$0xA400] =	vst v63  }
0x47: {  	p0 =	sne.s32 s0, $0x18400;
	s0 =	sadd.s32 $0x200, s29;
	s1 =	sshrl.u32 s5, $0x3  }
0x48: {  	[tilespmem:s16], [sflag:$0x1] =	stream.indirect.gather [hbm4b:s3+s15], $0x40, s0, s15, $0xb8;
	[tilespmem:$0xA400] =	vst v63  }
.Ltmp0:
0x49: {  	_ =	swait.ge [sflag:s21], $0x2000;
	(pc) =	sbr.rel @p0 .LBB2_2-.Ltmp0, $4  }
0x4a: {  	s30 =	sadd.s32 $0x8000, s30;
	[sflag:s21] =	ssyncset.done $0x0  }
0x4b: {  	s20 =	sadd.s32 s4, s28;
	s28 =	smov.u32 s1;
	[sflag:s21] =	ssyncadd.s32 $0xFFFFE000  }
0x4c: {  	s29 =	sshra.s32 s2, $0x2;
	s1 =	sadd.s32 $0xFFFFFFFF, s31;
	_ =	swait.ge [sflag:s23], $0x2000  }
0x4d: {  	s31 =	sadd.s32 $0x2, s31;
	s0 =	smov.u32 s6;
	[sflag:s23] =	ssyncset.done $0x0  }
0x4e: {  	[sflag:s23] =	ssyncadd.s32 $0xFFFFE000  }
0x4f: {  	[hbm4b:s20+s19] =	stream.strided.scatter [tilespmem:s17], [sflag:$0x4], $0x2000, s15, s19, $0x38;
	[tilespmem:$0xA400] =	vst v63  }
0x50: {  	s0 =	sadd.s32 $0x180, s29  }
0x51: {  	[tilespmem:s17], [sflag:$0x2] =	stream.indirect.gather [hbm4b:s3+s15], $0x40, s0, s15, $0xb8;
	[tilespmem:$0xA400] =	vst v63  }
0x52: {  	s24 =	sadd.s32 $0x4000, s26;
	_ =	swait.ge [sflag:s18], $0x2000  }
0x53: {  	s2 =	sand.u32 $0xF8000, s30;
	s1 =	sand.u32 $0x40, s1;
	[sflag:s18] =	ssyncset.done $0x0  }
0x54: {  	s1 =	sor.u32 s1, s2;
	s0 =	sand.u32 $0x7FF00000, s24;
	[sflag:s18] =	ssyncadd.s32 $0xFFFFE000  }
0x55: {  	s0 =	sor.u32 s0, s1;
	_ =	swait.ge [sflag:s22], $0x2000  }
0x56: {  	s0 =	sshrl.u32 s0, $0x3;
	[sflag:s22] =	ssyncset.done $0x0  }
0x57: {  	s0 =	sadd.s32 s4, s0;
	[sflag:s22] =	ssyncadd.s32 $0xFFFFE000  }
0x58: {  	[hbm4b:s0+s19] =	stream.strided.scatter [tilespmem:s16], [sflag:$0x3], $0x2000, s15, s19, $0x38;
	[tilespmem:$0xA400] =	vst v63  }
0x59: {  	s26 =	sadd.s32 $0x200, s29  }
0x5a: {  	[tilespmem:s16], [sflag:$0x1] =	stream.indirect.gather [hbm4b:s3+s15], $0x40, s26, s15, $0xb8;
	[tilespmem:$0xA400] =	vst v63  }
0x5b: {  	_ =	swait.ge [sflag:s21], $0x2000  }
0x5c: {  	[sflag:s21] =	ssyncset.done $0x0  }
0x5d: {  	[sflag:s21] =	ssyncadd.s32 $0xFFFFE000  }
0x5e: {  	_ =	swait.ge [sflag:s23], $0x2000  }
0x5f: {  	[sflag:s23] =	ssyncset.done $0x0  }
0x60: {  	s29 =	sadd.s32 s4, s28;
	[sflag:s23] =	ssyncadd.s32 $0xFFFFE000  }
0x61: {  	[hbm4b:s29+s19] =	stream.strided.scatter [tilespmem:s17], [sflag:$0x4], $0x2000, s15, s19, $0x38;
	[tilespmem:$0xA400] =	vst v63  }
0x62: {  	s30 =	simm.s32 $0x6380  }
0x63: {  	[tilespmem:s17], [sflag:$0x2] =	stream.indirect.gather [hbm4b:s3+s15], $0x40, s30, s15, $0xb8;
	[tilespmem:$0xA400] =	vst v63  }
0x64: {  	_ =	swait.ge [sflag:s18], $0x2000  }
0x65: {  	[sflag:s18] =	ssyncset.done $0x0  }
0x66: {  	[sflag:s18] =	ssyncadd.s32 $0xFFFFE000  }
0x67: {  	_ =	swait.ge [sflag:s22], $0x2000  }
0x68: {  	[sflag:s22] =	ssyncset.done $0x0  }
0x69: {  	[sflag:s22] =	ssyncadd.s32 $0xFFFFE000  }
0x6a: {  	[hbm4b:s9+s19] =	stream.strided.scatter [tilespmem:s16], [sflag:$0x3], $0x2000, s15, s19, $0x38;
	[tilespmem:$0xA400] =	vst v63  }
0x6b: {  	_ =	swait.ge [sflag:s21], $0x2000  }
0x6c: {  	[sflag:s21] =	ssyncset.done $0x0  }
0x6d: {  	[sflag:s21] =	ssyncadd.s32 $0xFFFFE000  }
0x6e: {  	_ =	swait.ge [sflag:s23], $0x2000  }
0x6f: {  	[sflag:s23] =	ssyncset.done $0x0  }
0x70: {  	[sflag:s23] =	ssyncadd.s32 $0xFFFFE000  }
0x71: {  	[hbm4b:s10+s19] =	stream.strided.scatter [tilespmem:s17], [sflag:$0x4], $0x2000, s15, s19, $0x38;
	[tilespmem:$0xA400] =	vst v63  }
0x72: {  	_ =	swait.ge [sflag:s22], $0x2000  }
0x73: {  	[sflag:s22] =	ssyncset.done $0x0  }
0x74: {  	[sflag:s22] =	ssyncadd.s32 $0xFFFFE000  }
0x75: {  	_ =	swait.ge [sflag:s23], $0x2000  }
0x76: {  	s25 =	sadd.s32 $0x1, s25;
	s31 =	rddreg [dreg:$0x4]  }
0x77: {  	p0 =	sne.s32 s25, s31  }
.Ltmp1:
0x78: {  	_ = 	snop;
	(pc) =	sbr.rel @p0 .LBB2_1-.Ltmp1, $3  }
0x79: {  	_ =	sdelay $0x1  }
0x7a: {  	[sflag:s23] =	ssyncset.done $0x0  }
0x7b: {  	[sflag:s23] =	ssyncadd.s32 $0xFFFFE000  }
0x7c: {  	_ =	sfence.sel $0x180000  }
0x7d: {  	[bflag:$0x0] =	sbarrier.arrive $0xFFFF  }
0x7e: {  	_ =	strace $0x90000047  }
0x7f: {  	s0 =	stileid.u32;
	[bflag:$0x2] =	sbarrier.arrive $0xFFFF  }
0x80: {  	p0 =	sne.s32 s0, $0x0;
	s0 =	rddreg [dreg:$0x2]  }
0x81: {  	s0 =	sadd.s32 @!p0 $0x100000, s0  }
0x82: {  	[sflag:s0] =	ssyncadd.tile.s32 @!p0 $0x1;
	_ =	shalt  }
.Lfunc_end2:
_tile_overlayer_lowered:
.L_overlay_start_2:
0x83: {  	(tag) =	ssettag $0x2  }
0x84: {  	s0 =	rddreg [dreg:$0x0];
	s2 =	stileid.u32  }
0x85: {  	s1 =	rddreg [dreg:$0x1];
	p0 =	sne.s32 s2, $0x0  }
0x86: {  	s3 =	rddreg [dreg:$0x2];
	[bflag:$0x3] =	sbarrier.arrive $0xFFFF;
	s2 =	simm.s32 @!p0 $0x1C05  }
0x87: {  	[timem:s3], [sflag:s2] =	dma.local @!p0 [hbm:s0], s1  }
0x88: {  	s0 =	simm.s32 @!p0 $0x5  }
0x89: {  	_ =	swait.ge @!p0 [sflag:s0], s1  }
0x8a: {  	s1 =	ssub.s32 @!p0 $0x0, s1;
	[sflag:s0] =	ssyncset.done @!p0 $0x0  }
0x8b: {  	[sflag:s0] =	ssyncadd.s32 @!p0 s1  }
0x8c: {  	[bflag:$0x3] =	sbarrier.arrive $0xFFFF  }
0x8d: {  	_ =	shalt  }

</sc_bundles>
